<compile_context>
chip_gen: v7x
topology: tpu7x:2x2x1
jax: 0.10.2.dev20260603
libtpu: 0.0.44.dev20260713+nightly
codegen_flags: <defaults>
</compile_context>

<pallas_src>
import functools

import jax
import jax.numpy as jnp
from jax import lax
from jax.experimental import pallas as pl
from jax.experimental.pallas import tpu as pltpu
from jax.experimental.pallas import tpu_sc as plsc

N_TOKENS = 32768
IN_DIM = 768
N_EXPERTS = 64
TOP_K = 8

BT = 4096
CHUNKS = 1
TOK_C = N_TOKENS // CHUNKS

NC = 2
NS = 16
NW = NC * NS
ROWS_PER_W = TOK_C // NW


def _probs_body(x_ref, w_ref, p_ref):
    x = x_ref[...]
    w = w_ref[...]
    h = jax.lax.dot_general(
        x, w, (((1,), (0,)), ((), ())), preferred_element_type=jnp.float32
    )
    gate = h[:, :N_EXPERTS]
    noise = h[:, N_EXPERTS:]
    p_ref[...] = jnp.exp(gate) * (1.0 + jnp.exp(noise))


def _merge16(ka, va, kb, vb):
    kbr = lax.rev(kb, (0,))
    vbr = lax.rev(vb, (0,))
    c = ka >= kbr
    k = jnp.where(c, ka, kbr)
    v = jnp.where(c, va, vbr)
    return plsc.sort_key_val(k, v, descending=True)


def _topk_body(p_hbm, vals_hbm, idx_hbm, p_v, vals_v, idx_v):
    wid = lax.axis_index("s") * NC + lax.axis_index("c")
    base = wid * ROWS_PER_W
    pltpu.sync_copy(p_hbm.at[pl.ds(base * N_EXPERTS, ROWS_PER_W * N_EXPERTS)], p_v)

    @plsc.parallel_loop(0, ROWS_PER_W, unroll=8)
    def row(r):
        runs = []
        raw = []
        for j in range(4):
            k = p_v[pl.ds(r * N_EXPERTS + j * 16, 16)]
            v = lax.iota(jnp.int32, 16) + j * 16
            raw.append(k)
            runs.append(plsc.sort_key_val(k, v, descending=True))
        k01, v01 = _merge16(*runs[0], *runs[1])
        k23, v23 = _merge16(*runs[2], *runs[3])
        kf, vf = _merge16(k01, v01, k23, v23)
        tot = jnp.sum((raw[0] + raw[1]) + (raw[2] + raw[3]))
        vals_v[pl.ds(r * 16, 16)] = kf / tot
        idx_v[pl.ds(r * 16, 16)] = vf

    pltpu.sync_copy(vals_v, vals_hbm.at[pl.ds(base * 16, ROWS_PER_W * 16)])
    pltpu.sync_copy(idx_v, idx_hbm.at[pl.ds(base * 16, ROWS_PER_W * 16)])


@jax.jit
def kernel(x, W_g, W_noise):
    w = jnp.concatenate([W_g, W_noise], axis=0).T
    mesh = plsc.VectorSubcoreMesh(core_axis_name="c", subcore_axis_name="s")
    topk = functools.partial(
        pl.kernel,
        out_type=[
            jax.ShapeDtypeStruct((TOK_C * 16,), jnp.float32),
            jax.ShapeDtypeStruct((TOK_C * 16,), jnp.int32),
        ],
        mesh=mesh,
        scratch_types=[
            pltpu.VMEM((ROWS_PER_W * N_EXPERTS,), jnp.float32),
            pltpu.VMEM((ROWS_PER_W * 16,), jnp.float32),
            pltpu.VMEM((ROWS_PER_W * 16,), jnp.int32),
        ],
        compiler_params=pltpu.CompilerParams(needs_layout_passes=False),
    )(_topk_body)

    vals_parts, idx_parts = [], []
    for c in range(CHUNKS):
        probs_c = pl.pallas_call(
            _probs_body,
            grid=(TOK_C // BT,),
            in_specs=[
                pl.BlockSpec(
                    (BT, IN_DIM), lambda i, c=c: (i + c * (TOK_C // BT), 0)
                ),
                pl.BlockSpec((IN_DIM, 2 * N_EXPERTS), lambda i: (0, 0)),
            ],
            out_specs=pl.BlockSpec((BT, N_EXPERTS), lambda i: (i, 0)),
            out_shape=jax.ShapeDtypeStruct((TOK_C, N_EXPERTS), jnp.float32),
            compiler_params=pltpu.CompilerParams(
                dimension_semantics=("arbitrary",),
            ),
        )(x, w)
        vals16, idx16 = topk(probs_c.reshape(-1))
        vals_parts.append(vals16.reshape(TOK_C, 16)[:, :TOP_K])
        idx_parts.append(idx16.reshape(TOK_C, 16)[:, :TOP_K])
    return (
        jnp.concatenate(vals_parts, axis=0),
        jnp.concatenate(idx_parts, axis=0),
    )

# --- scband reference (transcript-rebuilt; emitter-appended) ---
"""Pipeline reference for scband-routing-74045236183584 (READ-ONLY COPY).

The authoritative reference and input builder live on the scoring server;
editing this copy changes nothing except your own understanding.
"""

import jax, jax.numpy as jnp
import numpy as np

IN_DIM = 768
N_EXPERTS = 64
TOP_K = 8
N_TOKENS = 32768

def setup_inputs(seed: int = 0) -> dict:
    key = jax.random.key(seed)
    k1, k2, k3 = jax.random.split(key, 3)
    x = jax.random.normal(k1, (N_TOKENS, IN_DIM), dtype=jnp.float32)
    # torch.nn.Linear(in, out, bias=0) -> no bias; weight shape [out, in]
    bound = 1.0 / np.sqrt(IN_DIM)
    W_g = jax.random.uniform(k2, (N_EXPERTS, IN_DIM), dtype=jnp.float32, minval=-bound, maxval=bound)
    W_noise = jax.random.uniform(k3, (N_EXPERTS, IN_DIM), dtype=jnp.float32, minval=-bound, maxval=bound)
    return {"x": x, "W_g": W_g, "W_noise": W_noise}

def reference(x, W_g, W_noise):
    # Note: the original module draws an unused normal_dist sample; it does not
    # affect the output, so it is omitted (no RNG effect on the result).
    gate_logits = x @ W_g.T
    noise_logits = jax.nn.softplus(x @ W_noise.T)
    out = jax.nn.softmax(gate_logits + noise_logits, axis=-1)
    vals, idx = jax.lax.top_k(out, TOP_K)
    return (vals, idx)

if __name__ == "__main__":
    import jax
    _d = setup_inputs()
    print(jax.jit(kernel)(*tuple(_d.values())))

</pallas_src>

<mosaic_0001>
#map = affine_map<(d0, d1) -> (0)>
module attributes {stable_mosaic.version = 14 : i64} {
  func.func @_topk_body(%arg0: i32, %arg1: i32, %arg2: memref<2097152xf32, #tpu.memory_space<hbm>>, %arg3: memref<524288xf32, #tpu.memory_space<hbm>>, %arg4: memref<524288xi32, #tpu.memory_space<hbm>>, %arg5: memref<65536xf32, #tpu.memory_space<vmem>>, %arg6: memref<16384xf32, #tpu.memory_space<vmem>>, %arg7: memref<16384xi32, #tpu.memory_space<vmem>>) attributes {dimension_semantics = [#tpu.dimension_semantics<core_parallel>, #tpu.dimension_semantics<subcore_parallel>], iteration_bounds = array<i64: 2, 16>, scalar_prefetch = 0 : i64, scratch_operands = 3 : i64, tpu.core_type = #tpu.core_type<sc_vector_subcore>, window_params = [{transform_indices = #map}, {transform_indices = #map}, {transform_indices = #map}]} {
    %mul3A = arith.constant 2 : i32
    %mul3A_0 = arith.muli %arg1, %mul3A : i32
    %add3A = arith.addi %mul3A_0, %arg0 : i32
    %mul3A_1 = arith.constant 1024 : i32
    %mul3A_2 = arith.muli %add3A, %mul3A_1 : i32
    %mul3A_3 = arith.constant 64 : i32
    %mul3A_4 = arith.muli %mul3A_2, %mul3A_3 : i32
    "tpu.region"() ({
      %run_scoped3A = tpu.sem_alloc : memref<!tpu.dma_semaphore, #tpu.memory_space<semaphore_mem>>
      %dma_start3A = tpu.memref_slice %arg2[%mul3A_4] : memref<2097152xf32, #tpu.memory_space<hbm>> -> memref<65536xf32, #tpu.memory_space<hbm>>
      %dma_start3A_11 = tpu.memref_slice %arg2[%mul3A_4] : memref<2097152xf32, #tpu.memory_space<hbm>> -> memref<65536xf32, #tpu.memory_space<hbm>>
      tpu.enqueue_dma source(%dma_start3A_11 : memref<65536xf32, #tpu.memory_space<hbm>>) target(%arg5 : memref<65536xf32, #tpu.memory_space<vmem>>) target_semaphore(%run_scoped3A : memref<!tpu.dma_semaphore, #tpu.memory_space<semaphore_mem>>)
      %dma_wait3A = tpu.memref_slice %arg2[%mul3A_4] : memref<2097152xf32, #tpu.memory_space<hbm>> -> memref<65536xf32, #tpu.memory_space<hbm>>
      %dma_wait3A_12 = tpu.memref_slice %arg2[%mul3A_4] : memref<2097152xf32, #tpu.memory_space<hbm>> -> memref<65536xf32, #tpu.memory_space<hbm>>
      tpu.wait_dma2 semaphore(%run_scoped3A : memref<!tpu.dma_semaphore, #tpu.memory_space<semaphore_mem>>) src(%dma_wait3A_12 : memref<65536xf32, #tpu.memory_space<hbm>>) dst(%arg5 : memref<65536xf32, #tpu.memory_space<vmem>>)
      tpu.yield
    }) : () -> ()
    %parallel_loop3A = arith.constant 0 : i32
    %parallel_loop3A_5 = arith.constant 1024 : i32
    %parallel_loop3A_6 = arith.constant 1 : i32
    scf.for %parallel_loop3A_11 = %parallel_loop3A to %parallel_loop3A_5 step %parallel_loop3A_6  : i32 {
      %parallel_loop3A_12 = arith.constant 64 : i32
      %parallel_loop3A_13 = arith.muli %parallel_loop3A_11, %parallel_loop3A_12 : i32
      %parallel_loop3A_14 = arith.constant 0 : i32
      %parallel_loop3A_15 = arith.addi %parallel_loop3A_13, %parallel_loop3A_14 : i32
      %parallel_loop3A_16 = arith.index_cast %parallel_loop3A_15 : i32 to index
      %parallel_loop3A_17 = tpu.vector_load %arg5[%parallel_loop3A_16] {strides = array<i32>} : memref<65536xf32, #tpu.memory_space<vmem>>, vector<16xf32>,
      %parallel_loop3A_18 = tpu.iota {dimensions = array<i32: 0>} : vector<16xi32>
      %parallel_loop3A_19 = arith.constant 0 : i32
      %parallel_loop3A_20 = vector.broadcast %parallel_loop3A_19 : i32 to vector<16xi32>
      %parallel_loop3A_21 = arith.addi %parallel_loop3A_18, %parallel_loop3A_20 : vector<16xi32>
      %parallel_loop3A_22 = arith.constant dense<true> : vector<16xi1>
      %parallel_loop3A_23, %parallel_loop3A_24, %parallel_loop3A_25 = tpu.sort %parallel_loop3A_17, %parallel_loop3A_21 masked %parallel_loop3A_22 {descending = true} : (vector<16xf32>, vector<16xi32>, vector<16xi1>) -> (vector<16xi1>, vector<16xf32>, vector<16xi32>)
      %parallel_loop3A_26 = arith.constant 64 : i32
      %parallel_loop3A_27 = arith.muli %parallel_loop3A_11, %parallel_loop3A_26 : i32
      %parallel_loop3A_28 = arith.constant 16 : i32
      %parallel_loop3A_29 = arith.addi %parallel_loop3A_27, %parallel_loop3A_28 : i32
      %parallel_loop3A_30 = arith.index_cast %parallel_loop3A_29 : i32 to index
      %parallel_loop3A_31 = tpu.vector_load %arg5[%parallel_loop3A_30] {strides = array<i32>} : memref<65536xf32, #tpu.memory_space<vmem>>, vector<16xf32>,
      %parallel_loop3A_32 = tpu.iota {dimensions = array<i32: 0>} : vector<16xi32>
      %parallel_loop3A_33 = arith.constant 16 : i32
      %parallel_loop3A_34 = vector.broadcast %parallel_loop3A_33 : i32 to vector<16xi32>
      %parallel_loop3A_35 = arith.addi %parallel_loop3A_32, %parallel_loop3A_34 : vector<16xi32>
      %parallel_loop3A_36 = arith.constant dense<true> : vector<16xi1>
      %parallel_loop3A_37, %parallel_loop3A_38, %parallel_loop3A_39 = tpu.sort %parallel_loop3A_31, %parallel_loop3A_35 masked %parallel_loop3A_36 {descending = true} : (vector<16xf32>, vector<16xi32>, vector<16xi1>) -> (vector<16xi1>, vector<16xf32>, vector<16xi32>)
      %parallel_loop3A_40 = arith.constant 64 : i32
      %parallel_loop3A_41 = arith.muli %parallel_loop3A_11, %parallel_loop3A_40 : i32
      %parallel_loop3A_42 = arith.constant 32 : i32
      %parallel_loop3A_43 = arith.addi %parallel_loop3A_41, %parallel_loop3A_42 : i32
      %parallel_loop3A_44 = arith.index_cast %parallel_loop3A_43 : i32 to index
      %parallel_loop3A_45 = tpu.vector_load %arg5[%parallel_loop3A_44] {strides = array<i32>} : memref<65536xf32, #tpu.memory_space<vmem>>, vector<16xf32>,
      %parallel_loop3A_46 = tpu.iota {dimensions = array<i32: 0>} : vector<16xi32>
      %parallel_loop3A_47 = arith.constant 32 : i32
      %parallel_loop3A_48 = vector.broadcast %parallel_loop3A_47 : i32 to vector<16xi32>
      %parallel_loop3A_49 = arith.addi %parallel_loop3A_46, %parallel_loop3A_48 : vector<16xi32>
      %parallel_loop3A_50 = arith.constant dense<true> : vector<16xi1>
      %parallel_loop3A_51, %parallel_loop3A_52, %parallel_loop3A_53 = tpu.sort %parallel_loop3A_45, %parallel_loop3A_49 masked %parallel_loop3A_50 {descending = true} : (vector<16xf32>, vector<16xi32>, vector<16xi1>) -> (vector<16xi1>, vector<16xf32>, vector<16xi32>)
      %parallel_loop3A_54 = arith.constant 64 : i32
      %parallel_loop3A_55 = arith.muli %parallel_loop3A_11, %parallel_loop3A_54 : i32
      %parallel_loop3A_56 = arith.constant 48 : i32
      %parallel_loop3A_57 = arith.addi %parallel_loop3A_55, %parallel_loop3A_56 : i32
      %parallel_loop3A_58 = arith.index_cast %parallel_loop3A_57 : i32 to index
      %parallel_loop3A_59 = tpu.vector_load %arg5[%parallel_loop3A_58] {strides = array<i32>} : memref<65536xf32, #tpu.memory_space<vmem>>, vector<16xf32>,
      %parallel_loop3A_60 = tpu.iota {dimensions = array<i32: 0>} : vector<16xi32>
      %parallel_loop3A_61 = arith.constant 48 : i32
      %parallel_loop3A_62 = vector.broadcast %parallel_loop3A_61 : i32 to vector<16xi32>
      %parallel_loop3A_63 = arith.addi %parallel_loop3A_60, %parallel_loop3A_62 : vector<16xi32>
      %parallel_loop3A_64 = arith.constant dense<true> : vector<16xi1>
      %parallel_loop3A_65, %parallel_loop3A_66, %parallel_loop3A_67 = tpu.sort %parallel_loop3A_59, %parallel_loop3A_63 masked %parallel_loop3A_64 {descending = true} : (vector<16xf32>, vector<16xi32>, vector<16xi1>) -> (vector<16xi1>, vector<16xf32>, vector<16xi32>)
      %parallel_loop3A_68 = arith.constant 15 : i32
      %parallel_loop3A_69 = vector.broadcast %parallel_loop3A_68 : i32 to vector<16xi32>
      %parallel_loop3A_70 = tpu.iota {dimensions = array<i32: 0>} : vector<16xi32>
      %parallel_loop3A_71 = arith.subi %parallel_loop3A_69, %parallel_loop3A_70 : vector<16xi32>
      %parallel_loop3A_72 = tpu.dynamic_gather %parallel_loop3A_38[%parallel_loop3A_71] in [0] : vector<16xf32>, vector<16xi32> -> vector<16xf32>
      %parallel_loop3A_73 = arith.constant 15 : i32
      %parallel_loop3A_74 = vector.broadcast %parallel_loop3A_73 : i32 to vector<16xi32>
      %parallel_loop3A_75 = tpu.iota {dimensions = array<i32: 0>} : vector<16xi32>
      %parallel_loop3A_76 = arith.subi %parallel_loop3A_74, %parallel_loop3A_75 : vector<16xi32>
      %parallel_loop3A_77 = tpu.dynamic_gather %parallel_loop3A_39[%parallel_loop3A_76] in [0] : vector<16xi32>, vector<16xi32> -> vector<16xi32>
      %parallel_loop3A_78 = arith.cmpf oge, %parallel_loop3A_24, %parallel_loop3A_72 : vector<16xf32>
      %parallel_loop3A_79 = arith.select %parallel_loop3A_78, %parallel_loop3A_24, %parallel_loop3A_72 : vector<16xi1>, vector<16xf32>
      %parallel_loop3A_80 = arith.select %parallel_loop3A_78, %parallel_loop3A_25, %parallel_loop3A_77 : vector<16xi1>, vector<16xi32>
      %parallel_loop3A_81 = arith.constant dense<true> : vector<16xi1>
      %parallel_loop3A_82, %parallel_loop3A_83, %parallel_loop3A_84 = tpu.sort %parallel_loop3A_79, %parallel_loop3A_80 masked %parallel_loop3A_81 {descending = true} : (vector<16xf32>, vector<16xi32>, vector<16xi1>) -> (vector<16xi1>, vector<16xf32>, vector<16xi32>)
      %parallel_loop3A_85 = arith.constant 15 : i32
      %parallel_loop3A_86 = vector.broadcast %parallel_loop3A_85 : i32 to vector<16xi32>
      %parallel_loop3A_87 = tpu.iota {dimensions = array<i32: 0>} : vector<16xi32>
      %parallel_loop3A_88 = arith.subi %parallel_loop3A_86, %parallel_loop3A_87 : vector<16xi32>
      %parallel_loop3A_89 = tpu.dynamic_gather %parallel_loop3A_66[%parallel_loop3A_88] in [0] : vector<16xf32>, vector<16xi32> -> vector<16xf32>
      %parallel_loop3A_90 = arith.constant 15 : i32
      %parallel_loop3A_91 = vector.broadcast %parallel_loop3A_90 : i32 to vector<16xi32>
      %parallel_loop3A_92 = tpu.iota {dimensions = array<i32: 0>} : vector<16xi32>
      %parallel_loop3A_93 = arith.subi %parallel_loop3A_91, %parallel_loop3A_92 : vector<16xi32>
      %parallel_loop3A_94 = tpu.dynamic_gather %parallel_loop3A_67[%parallel_loop3A_93] in [0] : vector<16xi32>, vector<16xi32> -> vector<16xi32>
      %parallel_loop3A_95 = arith.cmpf oge, %parallel_loop3A_52, %parallel_loop3A_89 : vector<16xf32>
      %parallel_loop3A_96 = arith.select %parallel_loop3A_95, %parallel_loop3A_52, %parallel_loop3A_89 : vector<16xi1>, vector<16xf32>
      %parallel_loop3A_97 = arith.select %parallel_loop3A_95, %parallel_loop3A_53, %parallel_loop3A_94 : vector<16xi1>, vector<16xi32>
      %parallel_loop3A_98 = arith.constant dense<true> : vector<16xi1>
      %parallel_loop3A_99, %parallel_loop3A_100, %parallel_loop3A_101 = tpu.sort %parallel_loop3A_96, %parallel_loop3A_97 masked %parallel_loop3A_98 {descending = true} : (vector<16xf32>, vector<16xi32>, vector<16xi1>) -> (vector<16xi1>, vector<16xf32>, vector<16xi32>)
      %parallel_loop3A_102 = arith.constant 15 : i32
      %parallel_loop3A_103 = vector.broadcast %parallel_loop3A_102 : i32 to vector<16xi32>
      %parallel_loop3A_104 = tpu.iota {dimensions = array<i32: 0>} : vector<16xi32>
      %parallel_loop3A_105 = arith.subi %parallel_loop3A_103, %parallel_loop3A_104 : vector<16xi32>
      %parallel_loop3A_106 = tpu.dynamic_gather %parallel_loop3A_100[%parallel_loop3A_105] in [0] : vector<16xf32>, vector<16xi32> -> vector<16xf32>
      %parallel_loop3A_107 = arith.constant 15 : i32
      %parallel_loop3A_108 = vector.broadcast %parallel_loop3A_107 : i32 to vector<16xi32>
      %parallel_loop3A_109 = tpu.iota {dimensions = array<i32: 0>} : vector<16xi32>
      %parallel_loop3A_110 = arith.subi %parallel_loop3A_108, %parallel_loop3A_109 : vector<16xi32>
      %parallel_loop3A_111 = tpu.dynamic_gather %parallel_loop3A_101[%parallel_loop3A_110] in [0] : vector<16xi32>, vector<16xi32> -> vector<16xi32>
      %parallel_loop3A_112 = arith.cmpf oge, %parallel_loop3A_83, %parallel_loop3A_106 : vector<16xf32>
      %parallel_loop3A_113 = arith.select %parallel_loop3A_112, %parallel_loop3A_83, %parallel_loop3A_106 : vector<16xi1>, vector<16xf32>
      %parallel_loop3A_114 = arith.select %parallel_loop3A_112, %parallel_loop3A_84, %parallel_loop3A_111 : vector<16xi1>, vector<16xi32>
      %parallel_loop3A_115 = arith.constant dense<true> : vector<16xi1>
      %parallel_loop3A_116, %parallel_loop3A_117, %parallel_loop3A_118 = tpu.sort %parallel_loop3A_113, %parallel_loop3A_114 masked %parallel_loop3A_115 {descending = true} : (vector<16xf32>, vector<16xi32>, vector<16xi1>) -> (vector<16xi1>, vector<16xf32>, vector<16xi32>)
      %parallel_loop3A_119 = arith.addf %parallel_loop3A_17, %parallel_loop3A_31 : vector<16xf32>
      %parallel_loop3A_120 = arith.addf %parallel_loop3A_45, %parallel_loop3A_59 : vector<16xf32>
      %parallel_loop3A_121 = arith.addf %parallel_loop3A_119, %parallel_loop3A_120 : vector<16xf32>
      %parallel_loop3A_122 = arith.constant true
      %parallel_loop3A_123 = vector.broadcast %parallel_loop3A_122 : i1 to vector<16xi1>
      %parallel_loop3A_124 = tpu.scan <sum>, %parallel_loop3A_121 masked %parallel_loop3A_123 : vector<16xf32>, vector<16xi1> -> vector<16xf32>
      %parallel_loop3A_125 = vector.extract %parallel_loop3A_124[15] : f32 from vector<16xf32>
      %parallel_loop3A_126 = vector.broadcast %parallel_loop3A_125 : f32 to vector<16xf32>
      %parallel_loop3A_127 = arith.divf %parallel_loop3A_117, %parallel_loop3A_126 : vector<16xf32>
      %parallel_loop3A_128 = arith.constant 16 : i32
      %parallel_loop3A_129 = arith.muli %parallel_loop3A_11, %parallel_loop3A_128 : i32
      %parallel_loop3A_130 = arith.index_cast %parallel_loop3A_129 : i32 to index
      %parallel_loop3A_131 = tpu.vector_load %arg6[%parallel_loop3A_130] {strides = array<i32>} : memref<16384xf32, #tpu.memory_space<vmem>>, vector<16xf32>,
      tpu.vector_store %arg6[%parallel_loop3A_130], %parallel_loop3A_127 {strides = array<i32>} : memref<16384xf32, #tpu.memory_space<vmem>>, vector<16xf32>,
      %parallel_loop3A_132 = arith.constant 16 : i32
      %parallel_loop3A_133 = arith.muli %parallel_loop3A_11, %parallel_loop3A_132 : i32
      %parallel_loop3A_134 = arith.index_cast %parallel_loop3A_133 : i32 to index
      %parallel_loop3A_135 = tpu.vector_load %arg7[%parallel_loop3A_134] {strides = array<i32>} : memref<16384xi32, #tpu.memory_space<vmem>>, vector<16xi32>,
      tpu.vector_store %arg7[%parallel_loop3A_134], %parallel_loop3A_118 {strides = array<i32>} : memref<16384xi32, #tpu.memory_space<vmem>>, vector<16xi32>,
    } {sc.loop_unroll_factor = 8 : i64, sc.parallel_access}
    %mul3A_7 = arith.constant 16 : i32
    %mul3A_8 = arith.muli %mul3A_2, %mul3A_7 : i32
    "tpu.region"() ({
      %run_scoped3A = tpu.sem_alloc : memref<!tpu.dma_semaphore, #tpu.memory_space<semaphore_mem>>
      %dma_start3A = tpu.memref_slice %arg3[%mul3A_8] : memref<524288xf32, #tpu.memory_space<hbm>> -> memref<16384xf32, #tpu.memory_space<hbm>>
      %dma_start3A_11 = tpu.memref_slice %arg3[%mul3A_8] : memref<524288xf32, #tpu.memory_space<hbm>> -> memref<16384xf32, #tpu.memory_space<hbm>>
      tpu.enqueue_dma source(%arg6 : memref<16384xf32, #tpu.memory_space<vmem>>) target(%dma_start3A_11 : memref<16384xf32, #tpu.memory_space<hbm>>) target_semaphore(%run_scoped3A : memref<!tpu.dma_semaphore, #tpu.memory_space<semaphore_mem>>)
      %dma_wait3A = tpu.memref_slice %arg3[%mul3A_8] : memref<524288xf32, #tpu.memory_space<hbm>> -> memref<16384xf32, #tpu.memory_space<hbm>>
      %dma_wait3A_12 = tpu.memref_slice %arg3[%mul3A_8] : memref<524288xf32, #tpu.memory_space<hbm>> -> memref<16384xf32, #tpu.memory_space<hbm>>
      tpu.wait_dma2 semaphore(%run_scoped3A : memref<!tpu.dma_semaphore, #tpu.memory_space<semaphore_mem>>) src(%arg6 : memref<16384xf32, #tpu.memory_space<vmem>>) dst(%dma_wait3A_12 : memref<16384xf32, #tpu.memory_space<hbm>>)
      tpu.yield
    }) : () -> ()
    %mul3A_9 = arith.constant 16 : i32
    %mul3A_10 = arith.muli %mul3A_2, %mul3A_9 : i32
    "tpu.region"() ({
      %run_scoped3A = tpu.sem_alloc : memref<!tpu.dma_semaphore, #tpu.memory_space<semaphore_mem>>
      %dma_start3A = tpu.memref_slice %arg4[%mul3A_10] : memref<524288xi32, #tpu.memory_space<hbm>> -> memref<16384xi32, #tpu.memory_space<hbm>>
      %dma_start3A_11 = tpu.memref_slice %arg4[%mul3A_10] : memref<524288xi32, #tpu.memory_space<hbm>> -> memref<16384xi32, #tpu.memory_space<hbm>>
      tpu.enqueue_dma source(%arg7 : memref<16384xi32, #tpu.memory_space<vmem>>) target(%dma_start3A_11 : memref<16384xi32, #tpu.memory_space<hbm>>) target_semaphore(%run_scoped3A : memref<!tpu.dma_semaphore, #tpu.memory_space<semaphore_mem>>)
      %dma_wait3A = tpu.memref_slice %arg4[%mul3A_10] : memref<524288xi32, #tpu.memory_space<hbm>> -> memref<16384xi32, #tpu.memory_space<hbm>>
      %dma_wait3A_12 = tpu.memref_slice %arg4[%mul3A_10] : memref<524288xi32, #tpu.memory_space<hbm>> -> memref<16384xi32, #tpu.memory_space<hbm>>
      tpu.wait_dma2 semaphore(%run_scoped3A : memref<!tpu.dma_semaphore, #tpu.memory_space<semaphore_mem>>) src(%arg7 : memref<16384xi32, #tpu.memory_space<vmem>>) dst(%dma_wait3A_12 : memref<16384xi32, #tpu.memory_space<hbm>>)
      tpu.yield
    }) : () -> ()
    return
  }
}

module attributes {stable_mosaic.version = 14 : i64} {
  func.func @_probs_body(%arg0: i32, %arg1: memref<4096x768xf32, #tpu.memory_space<vmem>>, %arg2: memref<768x128xf32, #tpu.memory_space<vmem>>, %arg3: memref<4096x64xf32, #tpu.memory_space<vmem>>) attributes {dimension_semantics = [#tpu.dimension_semantics<arbitrary>], iteration_bounds = array<i64: 8>, scalar_prefetch = 0 : i64, scratch_operands = 0 : i64, tpu.core_type = #tpu.core_type<tc>, window_params = [{transform_indices = @transform_0, window_bounds = array<i64: 4096, 768>}, {pipeline_mode = #tpu.pipeline_mode<synchronous>, transform_indices = @transform_1, window_bounds = array<i64: 768, 128>}, {transform_indices = @transform_2, window_bounds = array<i64: 4096, 64>}]} {
    %get3A = arith.constant 0 : index
    %get3A_0 = arith.constant 0 : index
    %get3A_1 = vector.load %arg1[%get3A, %get3A_0] : memref<4096x768xf32, #tpu.memory_space<vmem>>, vector<4096x768xf32>
    %get3A_2 = arith.constant 0 : index
    %get3A_3 = arith.constant 0 : index
    %get3A_4 = vector.load %arg2[%get3A_2, %get3A_3] : memref<768x128xf32, #tpu.memory_space<vmem>>, vector<768x128xf32>
    %dot_general3A = arith.constant dense<0.000000e+00> : vector<4096x128xf32>
    %dot_general3A_5 = tpu.matmul %get3A_1, %get3A_4, %dot_general3A {dimension_numbers = #tpu.dot_dimension_numbers<[1], [0], [0], [1], [0, 0, 1, 1], [], []>, transpose_lhs_hint = false} : vector<4096x768xf32>, vector<768x128xf32>, vector<4096x128xf32> -> vector<4096x128xf32>
    %slice3A = vector.extract_strided_slice %dot_general3A_5 {offsets = [0, 0], sizes = [4096, 64], strides = [1, 1]} : vector<4096x128xf32> to vector<4096x64xf32>
    %slice3A_6 = vector.extract_strided_slice %dot_general3A_5 {offsets = [0, 64], sizes = [4096, 64], strides = [1, 1]} : vector<4096x128xf32> to vector<4096x64xf32>
    %exp3A = math.exp %slice3A : vector<4096x64xf32>
    %exp3A_7 = math.exp %slice3A_6 : vector<4096x64xf32>
    %add3A = arith.constant 1.000000e+00 : f32
    %add3A_8 = vector.broadcast %add3A : f32 to vector<4096x64xf32>
    %add3A_9 = arith.addf %add3A_8, %exp3A_7 : vector<4096x64xf32>
    %mul3A = arith.mulf %exp3A, %add3A_9 : vector<4096x64xf32>
    %swap3A = arith.constant 0 : index
    %swap3A_10 = arith.constant 0 : index
    %swap3A_11 = vector.load %arg3[%swap3A, %swap3A_10] : memref<4096x64xf32, #tpu.memory_space<vmem>>, vector<4096x64xf32>
    tpu.vector_store %arg3[%swap3A, %swap3A_10], %mul3A {strides = array<i32>} : memref<4096x64xf32, #tpu.memory_space<vmem>>, vector<4096x64xf32>,
    return
  }
  func.func @transform_0(%arg0: i32) -> (i32, i32) {
    %add3A = arith.constant 0 : i32
    %add3A_0 = arith.addi %arg0, %add3A : i32
    %c0_i32 = arith.constant 0 : i32
    %c0_i32_1 = arith.constant 0 : i32
    return %add3A_0, %c0_i32 : i32, i32
  }
  func.func @transform_1(%arg0: i32) -> (i32, i32) {
    %c0_i32 = arith.constant 0 : i32
    %c0_i32_0 = arith.constant 0 : i32
    %c0_i32_1 = arith.constant 0 : i32
    return %c0_i32, %c0_i32_0 : i32, i32
  }
  func.func @transform_2(%arg0: i32) -> (i32, i32) {
    %c0_i32 = arith.constant 0 : i32
    %c0_i32_0 = arith.constant 0 : i32
    return %arg0, %c0_i32 : i32, i32
  }
}

</mosaic_0001>

<sc_bundles>
// kernel: kernel.4.cloned.1.call-start
scs
__scs_entry_jumppad:
0x0: {  	(pc) =	sbr.rel $0x88, $3  }
0x1: {  	(tag) =	ssettag $0x0;
	lr =	simm.s32 $0x1  }
0x2: {  	[smem:$0x3F9E] =	sst lr;
	_ =	strace $0xD0000000  }
0x3: {  	_ = 	snop  }
0x4: {  	_ = 	snop  }
0x5: {  	_ = 	snop  }
0x6: {  	_ = 	snop  }
0x7: {  	_ = 	snop  }
__scs_overlays_trampoline_lowered:
0x8: {  	[smem:$0x3FAD] =	sst s0  }
0x9: {  	[smem:$0x3FAE] =	sst s1  }
0xa: {  	[smem:$0x3FAF] =	sst s2  }
0xb: {  	[smem:$0x3FB0] =	sst s3  }
0xc: {  	[smem:$0x3FB1] =	sst s4  }
0xd: {  	[smem:$0x3FB2] =	sst s5  }
0xe: {  	[smem:$0x3FB3] =	sst s6  }
0xf: {  	[smem:$0x3FB4] =	sst s7  }
0x10: {  	[smem:$0x3FB5] =	sst s8  }
0x11: {  	[smem:$0x3FB6] =	sst s9;
	s0 =	simm.s32 @!p0 $0x0  }
0x12: {  	s1 =	sld [smem:$0x3F9C];
	s0 =	simm.s32 @p0 $0x1  }
0x13: {  	[smem:$0x3FB7] =	sst s0;
	s0 =	simm.s32 @!p1 $0x0  }
0x14: {  	s2 =	sld [smem:$0x3F9B];
	s0 =	simm.s32 @p1 $0x1  }
0x15: {  	[smem:$0x3FB8] =	sst s0;
	s0 =	simm.s32 @!p2 $0x0  }
0x16: {  	s3 =	sld [smem:$0x3FDB];
	s0 =	simm.s32 @p2 $0x1  }
0x17: {  	s4 =	simm.s32 $0x1BF5;
	[smem:$0x3FBA] =	sst s0  }
0x18: {  	s0 =	sld [smem:$0x3F9D];
	_ =	swait.ge [sflag:s4], $0x0  }
0x19: {  	s7 =	sld [smem:$0x3F9E]  }
0x1a: {  	s8 =	sadd.s32 $0xFFFFE003, lr  }
0x1b: {  	s9 =	sadd.s32 $0xFFFFFEF7, lr;
	s5 =	simm.s32 $0xFFFFFFFF;
	p2 =	slt.u32 s8, $0xFFFFF086  }
0x1c: {  	p1 =	slt.u32 s9, $0xF7A;
	s5 =	simm.s32 @!p2 $0x0  }
0x1d: {  	s5 =	simm.s32 @p1 $0x1;
	p0 =	seq.s32 s7, s2  }
0x1e: {  	s7 =	smul.u32 @!p0 $0xF7A, s2;
	p2 =	seq.s32 @!p0 s5, $0x0  }
0x1f: {  	s9 =	smul.u32 $0xF7A, s1;
	s8 =	simm.s32 @!p0 $0x1BF5;
	p2 =	por !p2, p0  }
0x20: {  	[sflag:s8] =	ssyncset.s32 @!p0 $0xFFFFF086;
	s6 =	sadd.s32 @!p0 s3, s7;
	s7 =	simm.s32 @!p0 $0x108  }
0x21: {  	s3 =	sadd.s32 s3, s9;
	s6 =	sadd.s32 @!p0 $0x88, s6;
	s7 =	simm.s32 @p2 $0x1082  }
0x22: {  	[simem:s7], [sflag:s8] =	dma.local @!p0 [hbm:s6], $0xF7A  }
0x23: {  	s9 =	sor.u32 $0xD0000000, s2;
	s6 =	simm.s32 $0x108;
	_ =	swait.ge @!p0 [sflag:s8], $0x0  }
0x24: {  	s3 =	sadd.s32 $0x88, s3;
	s6 =	simm.s32 @!p1 $0x1082;
	[sflag:s4] =	ssyncset.s32 $0xFFFFF086  }
0x25: {  	[simem:s6], [sflag:s4] =	dma.local [hbm:s3], $0xF7A  }
0x26: {  	[smem:$0x3F9E] =	sst s1;
	(tag) =	ssettag s2;
	_ =	strace s9  }
0x27: {  	s1 =	sld [smem:$0x3FAE]  }
0x28: {  	s2 =	sld [smem:$0x3FAF]  }
0x29: {  	s4 =	sld [smem:$0x3FB1]  }
0x2a: {  	p0 =	seq.s32 s5, $0x0;
	s5 =	sld [smem:$0x3FB2]  }
0x2b: {  	s6 =	sld [smem:$0x3FB3]  }
0x2c: {  	s7 =	sld [smem:$0x3FB4]  }
0x2d: {  	s3 =	simm.s32 $0x108;
	s8 =	sld [smem:$0x3FB5]  }
0x2e: {  	s3 =	simm.s32 @!p0 $0x1082;
	s9 =	sld [smem:$0x3FB6]  }
0x2f: {  	lr =	sadd.s32 s0, s3;
	s0 =	sld [smem:$0x3FAD]  }
0x30: {  	s3 =	sld [smem:$0x3FB0]  }
0x31: {  	[smem:$0x3FB9] =	sst s10  }
0x32: {  	s10 =	sld [smem:$0x3FB7];
	_ =	sdelay $0x3  }
0x33: {  	p0 =	seq.s32 s10, $0x1;
	s10 =	sld [smem:$0x3FB9];
	_ =	sdelay $0x3  }
0x34: {  	[smem:$0x3FB9] =	sst s10  }
0x35: {  	s10 =	sld [smem:$0x3FB8];
	_ =	sdelay $0x3  }
0x36: {  	p1 =	seq.s32 s10, $0x1;
	s10 =	sld [smem:$0x3FB9];
	_ =	sdelay $0x3  }
0x37: {  	[smem:$0x3FB9] =	sst s10  }
0x38: {  	s10 =	sld [smem:$0x3FBA]  }
0x39: {  	_ = 	snop;
	(pc) =	sbr.ind lr, $3  }
0x3a: {  	_ = 	snop  }
0x3b: {  	_ = 	snop  }
0x3c: {  	p2 =	seq.s32 s10, $0x1;
	s10 =	sld [smem:$0x3FB9]  }
0x3d: {  	_ =	shalt  }
0x3e: {  	_ =	shalt  }
0x3f: {  	_ =	shalt  }
0x40: {  	_ =	shalt  }
0x41: {  	_ =	shalt  }
0x42: {  	_ =	shalt  }
0x43: {  	_ =	shalt  }
0x44: {  	_ =	shalt  }
0x45: {  	_ =	shalt  }
0x46: {  	_ =	shalt  }
0x47: {  	_ =	shalt  }
0x48: {  	_ =	shalt  }
0x49: {  	_ =	shalt  }
0x4a: {  	_ =	shalt  }
0x4b: {  	_ =	shalt  }
0x4c: {  	_ =	shalt  }
0x4d: {  	_ =	shalt  }
0x4e: {  	_ =	shalt  }
0x4f: {  	_ =	shalt  }
0x50: {  	_ =	shalt  }
0x51: {  	_ =	shalt  }
0x52: {  	_ =	shalt  }
0x53: {  	_ =	shalt  }
0x54: {  	_ =	shalt  }
0x55: {  	_ =	shalt  }
0x56: {  	_ =	shalt  }
0x57: {  	_ =	shalt  }
0x58: {  	_ =	shalt  }
0x59: {  	_ =	shalt  }
0x5a: {  	_ =	shalt  }
0x5b: {  	_ =	shalt  }
0x5c: {  	_ =	shalt  }
0x5d: {  	_ =	shalt  }
0x5e: {  	_ =	shalt  }
0x5f: {  	_ =	shalt  }
0x60: {  	_ =	shalt  }
0x61: {  	_ =	shalt  }
0x62: {  	_ =	shalt  }
0x63: {  	_ =	shalt  }
0x64: {  	_ =	shalt  }
0x65: {  	_ =	shalt  }
0x66: {  	_ =	shalt  }
0x67: {  	_ =	shalt  }
0x68: {  	_ =	shalt  }
0x69: {  	_ =	shalt  }
0x6a: {  	_ =	shalt  }
0x6b: {  	_ =	shalt  }
0x6c: {  	_ =	shalt  }
0x6d: {  	_ =	shalt  }
0x6e: {  	_ =	shalt  }
0x6f: {  	_ =	shalt  }
0x70: {  	_ =	shalt  }
0x71: {  	_ =	shalt  }
0x72: {  	_ =	shalt  }
0x73: {  	_ =	shalt  }
0x74: {  	_ =	shalt  }
0x75: {  	_ =	shalt  }
0x76: {  	_ =	shalt  }
0x77: {  	_ =	shalt  }
0x78: {  	_ =	shalt  }
0x79: {  	_ =	shalt  }
0x7a: {  	_ =	shalt  }
0x7b: {  	_ =	shalt  }
0x7c: {  	_ =	shalt  }
0x7d: {  	_ =	shalt  }
0x7e: {  	_ =	shalt  }
0x7f: {  	_ =	shalt  }
0x80: {  	_ =	shalt  }
0x81: {  	_ =	shalt  }
0x82: {  	_ =	shalt  }
0x83: {  	_ =	shalt  }
0x84: {  	_ =	shalt  }
0x85: {  	_ =	shalt  }
0x86: {  	_ =	shalt  }
0x87: {  	_ =	shalt  }
.Lfunc_end0:
.L_simem_size_0:
called_computation_lowered:
.L_overlay_start_0:
0x88: {  	s2 =	sld [smem:$0x3FD9]  }
0x89: {  	s3 =	sld [smem:$0x3FFE];
	_ =	sdelay $0x1  }
0x8a: {  	s1 =	srdreg.scid  }
0x8b: {  	s0 =	sand.u32 $0x1, s1  }
0x8c: {  	s16 =	sshll.u32 s0, $0xA;
	s2 =	sadd.s32 s3, s2  }
0x8d: {  	s2 =	sadd.s32 s2, s16  }
0x8e: {  	[smem:$0x3FC5] =	sst s2  }
0x8f: {  	_ = 	snop  }
0x90: {  	(tm) =	ssettm $0x1  }
0x91: {  	s17 =	sld [smem:$0x3FFB];
	_ =	sdelay $0x3  }
0x92: {  	_ =	strace s17  }
0x93: {  	s2 =	sld [smem:$0x3FFC];
	_ =	sdelay $0x3  }
0x94: {  	_ =	strace s2  }
0x95: {  	s2 =	sld [smem:$0x3FFD];
	_ =	sdelay $0x3  }
0x96: {  	_ =	strace s2  }
0x97: {  	_ =	strace $0x8FFFFFFF  }
0x98: {  	s18 =	sld [smem:$0x3FDB];
	_ =	sdelay $0x1  }
0x99: {  	s19 =	simm.s32 $_scs_section_size  }
0x9a: {  	s4 =	simm.s32 $_size__tile_overlayer_lowered;
	s5 =	simm.s32 $_tile_overlayer_lowered  }
0x9b: {  	s22 =	simm.s32 $0x1BFF;
	s21 =	sshll.u32 s5, $0x1;
	s2 =	sadd.s32 s19, s18  }
0x9c: {  	s6 =	simm.s32 $0x0;
	s20 =	sshll.u32 s4, $0x1;
	s4 =	sadd.s32 s21, s2  }
0x9d: {  	[timem:s6], [sflag:s22] =	dma.local [hbm:s4], s20  }
0x9e: {  	_ =	swait.ge [sflag:s22], s20  }
0x9f: {  	s3 =	ssub.s32 $0x0, s20;
	[sflag:s22] =	ssyncset.done $0x0  }
0xa0: {  	[sflag:s22] =	ssyncadd.s32 s3;
	_ =	sdelay $0x1  }
0xa1: {  	s23 =	simm.s32 $0x1B8B  }
0xa2: {  	_ =	swait.ge [sflag:s23], $0x1  }
0xa3: {  	[sflag:s23] =	ssyncset.done $0x0  }
0xa4: {  	s25 =	simm.s32 $0x1B8E;
	s24 =	sld [smem:$0x3FFE];
	[sflag:s23] =	ssyncadd.s32 $0xFFFFFFFF  }
0xa5: {  	s26 =	simm.s32 $execute0_lowered;
	[smem:$0x3FD2] =	sst s25  }
0xa6: {  	s4 =	sshll.u32 s26, $0x1;
	_ =	strace $0x80000046;
	[dreg:$0x1] =	wrdreg $0xFFFFFFFF  }
0xa7: {  	s28 =	simm.s32 $_size_execute0_lowered;
	s2 =	sadd.s32 s2, s4;
	[dreg:$0x0] =	wrdreg $0x0  }
0xa8: {  	s4 =	sshll.u32 s28, $0x1;
	[dreg:$0x2] =	wrdreg s2  }
0xa9: {  	[dreg:$0x3] =	wrdreg s4  }
0xaa: {  	[dreg:$0x4] =	wrdreg $0xC0  }
0xab: {  	_ =	task [dreg:s6], $0x5FFFF  }
0xac: {  	[dreg:$0x1] =	wrdreg $0xFFFFFFFF  }
0xad: {  	[dreg:$0x0] =	wrdreg $0x60  }
0xae: {  	[dreg:$0x2] =	wrdreg s24  }
0xaf: {  	[dreg:$0x3] =	wrdreg $0x9  }
0xb0: {  	_ =	task.clear_ibuf [dreg:s6], $0x4FFFF;
	_ =	strace $0x90000046  }
0xb1: {  	s29 =	simm.s32 $0x9;
	_ =	strace $0x80000048  }
0xb2: {  	_ =	swait.ge [sflag:s29], $0x1  }
0xb3: {  	[sflag:s29] =	ssyncadd.s32 $0xFFFFFFFF  }
0xb4: {  	_ =	strace $0x90000048  }
0xb5: {  	_ =	sfence  }
0xb6: {  	s30 =	sld [smem:$0x0];
	_ =	sdelay $0x2  }
0xb7: {  	s31 =	sshll.u32 s1, $0xD;
	s1 =	sshrl.u32 s1, $0x2  }
0xb8: {  	s3 =	sand.u32 $0x4000, s31;
	s1 =	sadd.s32 s1, s30  }
0xb9: {  	s0 =	sor.u32 s3, s0;
	s1 =	sshll.u32 s1, $0x11  }
0xba: {  	s0 =	sor.u32 s1, s0  }
0xbb: {  	s0 =	sadd.s32 $0x8F2B, s0  }
0xbc: {  	[sflag:s0] =	ssyncadd.remote.s32 $0x1  }
0xbd: {  	_ =	sfence.sel $0xFFFF  }
0xbe: {  	[dreg:$0x0] =	wrdreg $0xFFFFFFFF;
	(pc) =	sbr.abs _section_cstart, $3  }
0xbf: {  	[dreg:$0x1] =	wrdreg $0xFFFFFFFF  }
0xc0: {  	_ =	task.clear_ibuf [dreg:s6], $0x2FFFF;
	_ =	strace $0x9FFFFFFF  }
0xc1: {  	(tm) =	ssettm $0x7FFFFFFF  }
tec
execute0_lowered:
.L_overlay_start_1:
0x0: {  	(tag) =	ssettag $0x1  }
0x1: {  	s3 =	rddreg [dreg:$0x0]  }
0x2: {  	s0 =	rddreg [dreg:$0x1];
	s2 =	simm.s32 $0x0;
	s4 =	srdreg.scid  }
0x3: {  	s1 =	stileid.u32;
	s8 =	simm.s32 $0x10000;
	s9 =	simm.s32 $0x14000  }
0x4: {  	[smem:$0x7FF] =	sst s2;
	s4 =	sand.u32 $0x1, s4;
	s5 =	sshll.u32 s1, $0x1  }
0x5: {  	s10 =	simm.s32 $0x0;
	_ =	strace $0x80000047;
	s5 =	sor.u32 s4, s5  }
0x6: {  	v0 =	vlaneseq.u32;
	s4 =	ssub.s32 $0x2, s4;
	s6 =	sshll.u32 s5, $0xD;
	s5 =	sshll.u32 s5, $0xB  }
0x7: {  	v4 =	vmul.u32 $0xFFFFFFFF, v0;
	s31 =	sshrl.u32 s4, $0x1;
	s6 =	sadd.s32 s6, s3;
	s5 =	sadd.s32 s5, s3  }
0x8: {  	v1 =	vor.u32 $0x10, v0;
	s7 =	ssub.s32 s4, s31;
	s3 =	sadd.s32 $0xA00, s6;
	s4 =	sadd.s32 $0x40A00, s5  }
0x9: {  	v2 =	vor.u32 $0x20, v0;
	v3 =	vor.u32 $0x30, v0;
	v4 =	vadd.s32 $0xF, v4;
	s5 =	sadd.s32 $0x50A00, s5;
	s6 =	smax.u32 s7, $0x1;
	s7 =	simm.s32 $0x1  }
.LBB2_1:
0xa: {  	[tilespmem:s2], [sflag:$0x1] =	stream.linear.gather [hbm4b:s3+s2], $0x10000, $0x38;
	[tilespmem:$0x18000] =	vst v63  }
0xb: {  	_ =	swait.ge [sflag:s7], $0x10000  }
0xc: {  	[sflag:s7] =	ssyncset.done $0x0  }
0xd: {  	s11 =	simm.s32 $0x100;
	[sflag:s7] =	ssyncadd.s32 $0xFFFF0000  }
0xe: {  	v5 =	vld [tilespmem:s11+$0xFFFFFF10]  }
0xf: {  	v7 =	vld [tilespmem:s11+$0xFFFFFF00]  }
0x10: {  	v8 =	vld [tilespmem:s11+$0x0]  }
0x11: {  	v9 =	vld [tilespmem:s11+$0x60]  }
0x12: {  	v12 =	vld [tilespmem:s11+$0xFFFFFFA0]  }
0x13: {  	v10 =	vld [tilespmem:s11+$0x10];
	(xrf1) =	vsort.dscd.msk.f32 $0xffff, v5, v1  }
0x14: {  	v13 =	vld [tilespmem:s11+$0x20];
	(xrf1) =	vsort.dscd.msk.f32 $0xffff, v7, v0  }
0x15: {  	v11 =	vld [tilespmem:s11+$0xC0];
	(xrf1) =	vsort.dscd.msk.f32 $0xffff, v8, v0  }
0x16: {  	v14 =	vld [tilespmem:s11+$0xD0];
	(xrf1) =	vsort.dscd.msk.f32 $0xffff, v9, v2  }
0x17: {  	v15 =	vld [tilespmem:s11+$0xA0];
	(xrf1) =	vsort.dscd.msk.f32 $0xffff, v12, v2  }
0x18: {  	v16 =	vld [tilespmem:s11+$0xE0];
	(xrf1) =	vsort.dscd.msk.f32 $0xffff, v10, v1  }
0x19: {  	v17 =	vld [tilespmem:s11+$0xF0];
	(xrf1) =	vsort.dscd.msk.f32 $0xffff, v13, v2  }
0x1a: {  	v18 =	vld [tilespmem:s11+$0xB0];
	(xrf1) =	vsort.dscd.msk.f32 $0xffff, v11, v0  }
0x1b: {  	v19 =	vld [tilespmem:s11+$0x70];
	(xrf1) =	vsort.dscd.msk.f32 $0xffff, v14, v1  }
0x1c: {  	v20 =	vld [tilespmem:s11+$0x30];
	(xrf1) =	vsort.dscd.msk.f32 $0xffff, v15, v2  }
0x1d: {  	v21 =	vld [tilespmem:s11+$0xFFFFFFF0];
	(xrf1) =	vsort.dscd.msk.f32 $0xffff, v16, v2  }
0x1e: {  	v6 =	vld [tilespmem:s11+$0xFFFFFF70];
	(xrf1) =	vsort.dscd.msk.f32 $0xffff, v17, v3  }
0x1f: {  	v22 =	vld [tilespmem:s11+$0xFFFFFFB0];
	(xrf1) =	vsort.dscd.msk.f32 $0xffff, v18, v3  }
0x20: {  	v24 =	vld [tilespmem:s11+$0xFFFFFF30];
	v23 =	vadd.f32 v5, v7;
	v8 =	vadd.f32 v10, v8;
	(xrf1) =	vsort.dscd.msk.f32 $0xffff, v19, v3  }
0x21: {  	v27 =	vld [tilespmem:s11+$0x50];
	v10 =	vadd.f32 v18, v15;
	v11 =	vadd.f32 v14, v11;
	v5, v7, _ =	vpop (xrf1);
	(xrf1) =	vsort.dscd.msk.f32 $0xffff, v20, v3  }
0x22: {  	v33 =	vld [tilespmem:s11+$0x40];
	v16 =	vadd.f32 v17, v16;
	v14 =	vperm.xlane v5, v4;
	v25, v26, _ =	vpop (xrf1);
	(xrf1) =	vsort.dscd.msk.f32 $0xffff, v21, v3  }
0x23: {  	v7 =	vperm.xlane v7, v4;
	v5 =	vadd.f32 v19, v9;
	v9 =	vld [tilespmem:s11+$0xFFFFFF20];
	v17, v28, _ =	vpop (xrf1);
	(xrf1) =	vsort.dscd.msk.f32 $0xffff, v6, v3  }
0x24: {  	v59 =	vld [tilespmem:s11+$0xFFFFFFE0];
	v15 =	vadd.f32 v16, v11;
	v18, v19, _ =	vpop (xrf1);
	vm0 =	vge.f32 v25, v14;
	(xrf1) =	vsort.dscd.msk.f32 $0xffff, v22, v3  }
0x25: {  	v11 =	vld [tilespmem:s11+$0xFFFFFF90];
	v29, v30, _ =	vpop (xrf1);
	v16 =	vsel vm0, v25, v14;
	(xrf1) =	vsort.dscd.msk.f32 $0xffff, v24, v3;
	v7 =	vsel vm0, v26, v7  }
0x26: {  	v34 =	vld [tilespmem:s11+$0xFFFFFF80];
	v14 =	vadd.f32 v20, v13;
	v13, v60, _ =	vpop (xrf1);
	(xrf1) =	vsort.dscd.msk.f32 $0xffff, v27, v1  }
0x27: {  	v27 =	vadd.f32 v27, v33;
	v61 =	vperm.xlane v13, v4;
	v31, v32, _ =	vpop (xrf1);
	v13 =	vadd.f32 v22, v12  }
0x28: {  	v22 =	vadd.f32 v14, v8;
	v14 =	vld [tilespmem:s11+$0xFFFFFF60];
	(xrf1) =	vsort.dscd.msk.f32 $0xffff, v16, v7;
	v8 =	vadd.f32 v24, v9;
	v7, v12, _ =	vpop (xrf1)  }
0x29: {  	v62 =	vperm.xlane v60, v4;
	(xrf1) =	vsort.dscd.msk.f32 $0xffff, v9, v2;
	v5 =	vadd.f32 v5, v27;
	v9, v16, _ =	vpop (xrf1)  }
0x2a: {  	vm11 =	vge.f32 v17, v61;
	(xrf1) =	vsort.dscd.msk.f32 $0xffff, v11, v1;
	v23 =	vadd.f32 v8, v23;
	v25, v26, _ =	vpop (xrf1)  }
0x2b: {  	v8 =	vadd.f32 v21, v59;
	v11 =	vadd.f32 v11, v34;
	v17 =	vsel vm11, v17, v61;
	v63, v35, _ =	vpop (xrf1)  }
0x2c: {  	v36 =	vld [tilespmem:s11+$0x90];
	v9 =	vperm.xlane v9, v4;
	v24 =	vsel vm11, v28, v62;
	(xrf1) =	vsort.dscd.msk.f32 $0xffff, v59, v2;
	v55, v54, _ =	vpop (xrf1)  }
0x2d: {  	v39 =	vld [tilespmem:s11+$0xFFFFFF50];
	(xrf1) =	vsort.dscd.msk.f32 $0xffff, v14, v2;
	v20 =	vperm.xlane v55, v4;
	v37, v38, _ =	vpop (xrf1);
	v28 =	vperm.xlane v54, v4  }
0x2e: {  	v42 =	vld [tilespmem:s11+$0x80];
	(xrf1) =	vsort.dscd.msk.f32 $0xffff, v33, v0;
	v37 =	vperm.xlane v37, v4;
	v40, v41, _ =	vpop (xrf1);
	v38 =	vperm.xlane v38, v4  }
0x2f: {  	v40 =	vperm.xlane v40, v4;
	v43, v44, _ =	vpop (xrf1);
	(xrf1) =	vsort.dscd.msk.f32 $0xffff, v17, v24;
	v56 =	vperm.xlane v41, v4  }
0x30: {  	v17 =	vld [tilespmem:s11+$0xFFFFFFD0];
	vm2 =	vge.f32 v63, v20;
	v57 =	vperm.xlane v43, v4;
	(xrf1) =	vsort.dscd.msk.f32 $0xffff, v34, v0  }
0x31: {  	vm1 =	vge.f32 v25, v37;
	v58 =	vperm.xlane v44, v4;
	v59, v45, _ =	vpop (xrf1);
	(xrf1) =	vsort.dscd.msk.f32 $0xffff, v36, v1  }
0x32: {  	v46 =	vld [tilespmem:s11+$0xFFFFFF40];
	v20 =	vsel vm2, v63, v20;
	v28 =	vsel vm2, v35, v28;
	v60, v47, _ =	vpop (xrf1);
	(xrf1) =	vsort.dscd.msk.f32 $0xffff, v39, v1  }
0x33: {  	vm12 =	vge.f32 v18, v40;
	v44 =	vperm.xlane v59, v4;
	v61, v62, _ =	vpop (xrf1);
	(xrf1) =	vsort.dscd.msk.f32 $0xffff, v42, v0  }
0x34: {  	v36 =	vadd.f32 v36, v42;
	vm3 =	vge.f32 v31, v57;
	v18 =	vsel vm12, v18, v40  }
0x35: {  	v19 =	vsel vm12, v19, v56;
	v41 =	vperm.xlane v61, v4;
	v48, v49, _ =	vpop (xrf1);
	(xrf1) =	vsort.dscd.msk.f32 $0xffff, v17, v1  }
0x36: {  	v53 =	vld [tilespmem:s11+$0xFFFFFFC0];
	(xrf2) =	vadd.scan.msk.f32 $0xffff, v22;
	v55 =	vperm.xlane v60, v4;
	v56 =	vperm.xlane v47, v4;
	v31 =	vsel vm3, v31, v57;
	v50, v51, _ =	vpop (xrf1)  }
0x37: {  	v32 =	vsel vm3, v32, v58;
	v43 =	vperm.xlane v62, v4;
	v21, v52, _ =	vpop (xrf1);
	(xrf1) =	vsort.dscd.msk.f32 $0xffff, v46, v0  }
0x38: {  	v10 =	vadd.f32 v10, v36;
	v49 =	vperm.xlane v49, v4;
	v24, v40, _ =	vpop (xrf1);
	(xrf1) =	vsort.dscd.msk.f32 $0xffff, v31, v32  }
0x39: {  	v48 =	vperm.xlane v48, v4;
	vm4 =	vge.f32 v29, v41;
	v63, v54, _ =	vpop (xrf1);
	(xrf1) =	vsort.dscd.msk.f32 $0xffff, v18, v19  }
0x3a: {  	v50 =	vperm.xlane v50, v4;
	v61 =	vperm.xlane v51, v4;
	v29 =	vsel vm4, v29, v41;
	v33, v41, _ =	vpop (xrf1)  }
0x3b: {  	v30 =	vsel vm4, v30, v43;
	v32 =	vperm.xlane v45, v4;
	(xrf1) =	vsort.dscd.msk.f32 $0xffff, v53, v0;
	v57, v58, _ =	vpop (xrf1)  }
0x3c: {  	v18 =	vsel vm1, v25, v37;
	vm13 =	vge.f32 v24, v48;
	v35 =	vperm.xlane v63, v4;
	v59, v60, _ =	vpop (xrf1)  }
0x3d: {  	(xrf2) =	vadd.scan.msk.f32 $0xffff, v23;
	v19 =	vsel vm1, v26, v38;
	v24 =	vsel vm13, v24, v48;
	vm14 =	vge.f32 v57, v55;
	v37, v38, _ =	vpop (xrf1)  }
0x3e: {  	(xrf2) =	vadd.scan.msk.f32 $0xffff, v15;
	v40 =	vsel vm13, v40, v49;
	vm15 =	vge.f32 v59, v50;
	v22 =	vsel vm14, v58, v56;
	v62, v51, _ =	vpop (xrf1)  }
0x3f: {  	v63 =	vsel vm14, v57, v55;
	(xrf1) =	vsort.dscd.msk.f32 $0xffff, v29, v30;
	vm6 =	vge.f32 v62, v35;
	v45, v48, _ =	vpop (xrf1)  }
0x40: {  	v25 =	vsel vm15, v59, v50;
	(xrf1) =	vsort.dscd.msk.f32 $0xffff, v24, v40;
	v50 =	vsel vm6, v62, v35;
	v35, v42, _ =	vpop (xrf1)  }
0x41: {  	v16 =	vperm.xlane v16, v4;
	v30 =	vperm.xlane v45, v4;
	v57, v58, _ =	vpop (xrf1);
	(xrf1) =	vsort.dscd.msk.f32 $0xffff, v63, v22  }
0x42: {  	v54 =	vperm.xlane v54, v4;
	v55 =	vsel vm15, v60, v61;
	v59 =	vperm.xlane v48, v4;
	v62, _, _ =	vpop (xrf2);
	(xrf2) =	vadd.scan.msk.f32 $0xffff, v10  }
0x43: {  	v56 =	vperm.xlane v42, v4;
	vm8 =	vge.f32 v57, v30;
	v60, v61, _ =	vpop (xrf1);
	(xrf1) =	vsort.dscd.msk.f32 $0xffff, v18, v19  }
0x44: {  	v63 =	vsel vm8, v57, v30;
	v22 =	vsel vm8, v58, v59;
	(xrf1) =	vsort.dscd.msk.f32 $0xffff, v25, v55  }
0x45: {  	v6 =	vadd.f32 v6, v14;
	v15 =	vperm.xlane v35, v4;
	v35 =	vbroadcast v62, $0xF;
	v43, v42, _ =	vpop (xrf1);
	(xrf1) =	vsort.dscd.msk.f32 $0xffff, v63, v22  }
0x46: {  	v45 =	vadd.f32 v39, v46;
	v49 =	vsel vm6, v51, v54;
	v10 =	vadd.f32 v13, v11;
	v46, v47, _ =	vpop (xrf1)  }
0x47: {  	vm0 =	vge.f32 v7, v9;
	(erf) = vrcp.f32 v35;
	v48 =	vperm.xlane v46, v4;
	v11, v13, _ =	vpop (xrf1);
	(xrf1) =	vsort.dscd.msk.f32 $0xffff, v50, v49  }
0x48: {  	v12 =	vsel vm0, v12, v16;
	v16 =	vadd.f32 v6, v45;
	v14 =	vperm.xlane v47, v4;
	v50, _, _ =	vpop (xrf2);
	(xrf2) =	vadd.scan.msk.f32 $0xffff, v10  }
0x49: {  	vm9 =	vge.f32 v43, v15;
	v22, v23, _ =	vpop (xrf1);
	(xrf1) =	vsort.dscd.msk.f32 $0xffff, v20, v28;
	vm10 =	vge.f32 v37, v48  }
0x4a: {  	v55 =	vsel vm9, v42, v56;
	v56, _, _ =	vpop (xrf2);
	(xrf2) =	vadd.scan.msk.f32 $0xffff, v5;
	v6 =	vsel vm10, v37, v48;
	v14 =	vsel vm10, v38, v14  }
0x4b: {  	v7 =	vsel vm0, v7, v9;
	v17 =	vadd.f32 v17, v53;
	(xrf1) =	vsort.dscd.msk.f32 $0xffff, v6, v14  }
0x4c: {  	v40 =	vperm.xlane v60, v4;
	v15 =	vsel vm9, v43, v15;
	(xrf1) =	vsort.dscd.msk.f32 $0xffff, v7, v12;
	v59, _, _ =	vpop (xrf2)  }
0x4d: {  	vm7 =	vge.f32 v33, v44;
	v31 =	vperm.xlane v61, v4;
	v18 =	vbroadcast v50, $0xF;
	v51, v54, _ =	vpop (xrf1);
	(xrf1) =	vsort.dscd.msk.f32 $0xffff, v15, v55  }
0x4e: {  	v57 =	vsel vm7, v33, v44;
	v10 =	vsel vm7, v41, v32;
	vm11 =	vge.f32 v22, v40;
	v6, v9, _ =	vpop (xrf1)  }
0x4f: {  	(erf) = vrcp.f32 v18;
	v14 =	vsel vm11, v22, v40;
	v12 =	vperm.xlane v6, v4;
	v19, v22, _ =	vpop (xrf1);
	(xrf1) =	vsort.dscd.msk.f32 $0xffff, v57, v10  }
0x50: {  	v8 =	vadd.f32 v8, v17;
	v17 =	vsel vm11, v23, v31;
	v5 =	vpop (erf);
	v9 =	vperm.xlane v9, v4  }
0x51: {  	v11 =	vperm.xlane v11, v4;
	v15, v58, _ =	vpop (xrf1);
	vm12 =	vge.f32 v21, v12;
	(xrf1) =	vsort.dscd.msk.f32 $0xffff, v14, v17  }
0x52: {  	v13 =	vperm.xlane v13, v4;
	(xrf2) =	vadd.scan.msk.f32 $0xffff, v16;
	v24 =	vperm.xlane v54, v4;
	v10, v60, _ =	vpop (xrf1);
	v9 =	vsel vm12, v52, v9  }
0x53: {  	v16 =	vperm.xlane v51, v4;
	v12 =	vsel vm12, v21, v12;
	vm13 =	vge.f32 v10, v11;
	v17, v61, _ =	vpop (xrf1)  }
0x54: {  	v63 =	vbroadcast v56, $0xF;
	v15 =	vperm.xlane v15, v4;
	(xrf1) =	vsort.dscd.msk.f32 $0xffff, v12, v9;
	v11 =	vsel vm13, v10, v11;
	v10, _, _ =	vpop (xrf2)  }
0x55: {  	v6 =	vperm.xlane v19, v4;
	v18 =	vperm.xlane v58, v4;
	v13 =	vsel vm13, v60, v13;
	(xrf2) =	vadd.scan.msk.f32 $0xffff, v8;
	v9, v62, _ =	vpop (xrf1)  }
0x56: {  	(erf) = vrcp.f32 v63;
	v7 =	vperm.xlane v22, v4;
	vm14 =	vge.f32 v17, v15;
	(xrf1) =	vsort.dscd.msk.f32 $0xffff, v11, v13;
	v8, _, _ =	vpop (xrf2)  }
0x57: {  	s13 =	simm.s32 $0x14040;
	s14 =	simm.s32 $0x10040;
	s15 =	simm.s32 $0x0;
	v17 =	vsel vm14, v17, v15;
	v18 =	vsel vm14, v61, v18;
	vm15 =	vge.f32 v9, v16;
	v14, v12, _ =	vpop (xrf1)  }
0x58: {  	s16 =	simm.s32 $0x300;
	s12 =	simm.s32 $0x14040;
	s11 =	simm.s32 $0x10040;
	v11 =	vbroadcast v59, $0xF;
	(xrf1) =	vsort.dscd.msk.f32 $0xffff, v17, v18;
	v13 =	vsel vm15, v9, v16;
	v9 =	vpop (erf);
	v15 =	vsel vm15, v62, v24  }
.LBB2_2:
0x59: {  	v16 =	vld [tilespmem:s16+$0xFFFFFF10];
	s15 =	sadd.s32 $0x8, s15;
	v14 =	vperm.xlane v14, v4;
	s13 =	sadd.s32 $0x80, s13;
	s14 =	sadd.s32 $0x80, s14;
	v17, v18, _ =	vpop (xrf1)  }
0x5a: {  	v12 =	vperm.xlane v12, v4;
	p0 =	slt.u32 s15, $0x3F8;
	v5 =	vmul.f32 v17, v5;
	(xrf1) =	vsort.dscd.msk.f32 $0xffff, v13, v15;
	v13, v15, _ =	vpop (xrf1)  }
0x5b: {  	v10 =	vbroadcast v10, $0xF;
	v17 =	vld [tilespmem:s16+$0xFFFFFF00];
	vm0 =	vge.f32 v13, v14;
	v19, v20, _ =	vpop (xrf1)  }
0x5c: {  	vm1 =	vge.f32 v19, v6;
	[tilespmem:s11+$0x0] =	vst v5;
	v5 =	vsel vm0, v13, v14;
	v12 =	vsel vm0, v15, v12;
	v13, _, _ =	vpop (xrf2)  }
0x5d: {  	v6 =	vsel vm1, v19, v6;
	v7 =	vsel vm1, v20, v7;
	[tilespmem:s12+$0x0] =	vst v18;
	v14, v15, _ =	vpop (xrf1);
	(xrf1) =	vsort.dscd.msk.f32 $0xffff, v5, v12  }
0x5e: {  	(xrf1) =	vsort.dscd.msk.f32 $0xffff, v16, v1;
	v5 =	vperm.xlane v14, v4;
	(erf) = vrcp.f32 v11  }
0x5f: {  	v20 =	vbroadcast v13, $0xF;
	v14 =	vperm.xlane v15, v4;
	v11 =	vld [tilespmem:s16+$0x0];
	v15, v18, _ =	vpop (xrf1)  }
0x60: {  	v13 =	vadd.f32 v16, v17;
	v19 =	vld [tilespmem:s16+$0x60];
	vm0 =	vge.f32 v15, v5;
	(xrf1) =	vsort.dscd.msk.f32 $0xffff, v6, v7;
	(erf) = vrcp.f32 v10;
	v6 =	vpop (erf)  }
0x61: {  	v10 =	vld [tilespmem:s16+$0xFFFFFFA0];
	(xrf1) =	vsort.dscd.msk.f32 $0xffff, v17, v0;
	v5 =	vsel vm0, v15, v5;
	v7 =	vsel vm0, v18, v14;
	(erf) = vrcp.f32 v20;
	v12, _, _ =	vpop (xrf2)  }
0x62: {  	v14 =	vld [tilespmem:s16+$0x10];
	v12 =	vbroadcast v12, $0xF;
	v15, v17, _ =	vpop (xrf1);
	(xrf1) =	vsort.dscd.msk.f32 $0xffff, v5, v7  }
0x63: {  	v20 =	vld [tilespmem:s16+$0x20];
	v5 =	vmul.f32 v15, v9  }
0x64: {  	v7 =	vld [tilespmem:s16+$0xC0];
	(xrf1) =	vsort.dscd.msk.f32 $0xffff, v11, v0;
	(erf) = vrcp.f32 v12;
	v18, v16, _ =	vpop (xrf1)  }
0x65: {  	v9 =	vld [tilespmem:s16+$0xD0];
	(xrf1) =	vsort.dscd.msk.f32 $0xffff, v19, v2;
	[tilespmem:s11+$0xFFFFFFC0] =	vst v5  }
0x66: {  	v5 =	vld [tilespmem:s16+$0xA0];
	(xrf1) =	vsort.dscd.msk.f32 $0xffff, v10, v2;
	[tilespmem:s12+$0xFFFFFFC0] =	vst v17;
	v12, v15, _ =	vpop (xrf1)  }
0x67: {  	v17 =	vadd.f32 v14, v11;
	v11 =	vld [tilespmem:s16+$0xE0];
	(xrf1) =	vsort.dscd.msk.f32 $0xffff, v14, v1;
	v14 =	vpop (erf)  }
0x68: {  	v21 =	vld [tilespmem:s16+$0xF0];
	(xrf1) =	vsort.dscd.msk.f32 $0xffff, v20, v2;
	v12 =	vmul.f32 v12, v14;
	v14, v22, _ =	vpop (xrf1)  }
0x69: {  	v23 =	vld [tilespmem:s16+$0xB0];
	(xrf1) =	vsort.dscd.msk.f32 $0xffff, v7, v0;
	v24 =	vpop (erf)  }
0x6a: {  	v25 =	vld [tilespmem:s16+$0x70];
	v26 =	vadd.f32 v9, v7;
	(xrf1) =	vsort.dscd.msk.f32 $0xffff, v9, v1;
	v7 =	vmul.f32 v14, v24;
	[tilespmem:s11+$0x20] =	vst v12;
	v9 =	vpop (erf)  }
0x6b: {  	v12 =	vld [tilespmem:s16+$0x30];
	(xrf1) =	vsort.dscd.msk.f32 $0xffff, v5, v2;
	[tilespmem:s12+$0x20] =	vst v15;
	v14, v15, _ =	vpop (xrf1)  }
0x6c: {  	v24 =	vld [tilespmem:s16+$0xFFFFFFF0];
	v27, v28, _ =	vpop (xrf1);
	(xrf1) =	vsort.dscd.msk.f32 $0xffff, v11, v2;
	[tilespmem:s11+$0xFFFFFFE0] =	vst v7;
	v30 =	vmul.f32 v14, v6  }
0x6d: {  	v27 =	vperm.xlane v27, v4;
	v29 =	vld [tilespmem:s16+$0xFFFFFFB0];
	v11 =	vadd.f32 v21, v11;
	(xrf1) =	vsort.dscd.msk.f32 $0xffff, v21, v3;
	[tilespmem:s12+$0xFFFFFFE0] =	vst v22;
	v21 =	vpop (erf)  }
0x6e: {  	v22 =	vperm.xlane v28, v4;
	v6 =	vld [tilespmem:s16+$0xFFFFFF70];
	v7 =	vadd.f32 v23, v5;
	(xrf1) =	vsort.dscd.msk.f32 $0xffff, v23, v3;
	[tilespmem:s11+$0x30] =	vst v30;
	v14, v23, _ =	vpop (xrf1)  }
0x6f: {  	v28 =	vld [tilespmem:s16+$0xFFFFFF30];
	v5 =	vadd.f32 v25, v19;
	v11 =	vadd.f32 v11, v26;
	v19, v26, _ =	vpop (xrf1);
	(xrf1) =	vsort.dscd.msk.f32 $0xffff, v25, v3;
	[tilespmem:s12+$0x30] =	vst v15  }
0x70: {  	v14 =	vmul.f32 v14, v9;
	vm0 =	vge.f32 v19, v27;
	(xrf1) =	vsort.dscd.msk.f32 $0xffff, v12, v3;
	v9, v25, _ =	vpop (xrf1)  }
0x71: {  	v15 =	vadd.f32 v12, v20;
	v19 =	vsel vm0, v19, v27;
	v27 =	vld [tilespmem:s16+$0x50];
	v20 =	vmul.f32 v9, v21  }
0x72: {  	v21 =	vsel vm0, v26, v22;
	v12 =	vld [tilespmem:s16+$0xFFFFFF90];
	v9 =	vadd.f32 v29, v10;
	(xrf1) =	vsort.dscd.msk.f32 $0xffff, v24, v3;
	v22, v26, _ =	vpop (xrf1);
	[tilespmem:s11+$0xFFFFFFD0] =	vst v14  }
0x73: {  	v30 =	vadd.f32 v15, v17;
	v14 =	vld [tilespmem:s16+$0xFFFFFF20];
	(xrf1) =	vsort.dscd.msk.f32 $0xffff, v6, v3;
	v31, v32, _ =	vpop (xrf1);
	[tilespmem:s11+$0xFFFFFFF0] =	vst v20  }
0x74: {  	v20 =	vbroadcast v8, $0xF;
	v15 =	vld [tilespmem:s16+$0xFFFFFF60];
	v33, v34, _ =	vpop (xrf1);
	(xrf1) =	vsort.dscd.msk.f32 $0xffff, v29, v3;
	[tilespmem:s12+$0xFFFFFFF0] =	vst v25  }
0x75: {  	v25 =	vld [tilespmem:s16+$0xFFFFFFE0];
	(xrf1) =	vsort.dscd.msk.f32 $0xffff, v28, v3;
	v10, v17, _ =	vpop (xrf1);
	[tilespmem:s12+$0xFFFFFFD0] =	vst v23  }
0x76: {  	v23 =	vperm.xlane v10, v4;
	v29 =	vld [tilespmem:s16+$0x40];
	v35, v36, _ =	vpop (xrf1);
	(xrf1) =	vsort.dscd.msk.f32 $0xffff, v27, v1;
	(erf) = vrcp.f32 v20  }
0x77: {  	v37 =	vperm.xlane v17, v4;
	v10 =	vld [tilespmem:s16+$0xFFFFFFD0];
	(xrf1) =	vsort.dscd.msk.f32 $0xffff, v19, v21;
	v8, v17, _ =	vpop (xrf1)  }
0x78: {  	v19 =	vadd.f32 v28, v14;
	vm0 =	vge.f32 v22, v23;
	v28 =	vld [tilespmem:s16+$0x90];
	(xrf1) =	vsort.dscd.msk.f32 $0xffff, v14, v2;
	v14, v21, _ =	vpop (xrf1)  }
0x79: {  	v20 =	vld [tilespmem:s16+$0xFFFFFF80];
	v38 =	vsel vm0, v22, v23;
	v14 =	vperm.xlane v14, v4;
	(xrf1) =	vsort.dscd.msk.f32 $0xffff, v12, v1;
	v39, v40, _ =	vpop (xrf1)  }
0x7a: {  	v41 =	vadd.f32 v19, v13;
	v13 =	vadd.f32 v24, v25;
	v19 =	vsel vm0, v26, v37;
	v24, v26, _ =	vpop (xrf1)  }
0x7b: {  	v22 =	vperm.xlane v21, v4;
	vm0 =	vge.f32 v8, v14;
	(xrf1) =	vsort.dscd.msk.f32 $0xffff, v25, v2;
	v21, v23, _ =	vpop (xrf1)  }
0x7c: {  	v25 =	vperm.xlane v21, v4;
	v37 =	vperm.xlane v23, v4;
	(xrf1) =	vsort.dscd.msk.f32 $0xffff, v15, v2;
	v21, v42, _ =	vpop (xrf1)  }
0x7d: {  	v23 =	vld [tilespmem:s16+$0xFFFFFF50];
	v43 =	vperm.xlane v21, v4;
	v42 =	vperm.xlane v42, v4;
	(xrf1) =	vsort.dscd.msk.f32 $0xffff, v29, v0;
	v21, v44, _ =	vpop (xrf1)  }
0x7e: {  	v45 =	vperm.xlane v21, v4;
	v21, v47, _ =	vpop (xrf1)  }
0x7f: {  	(xrf1) =	vsort.dscd.msk.f32 $0xffff, v38, v19;
	v38 =	vperm.xlane v47, v4  }
0x80: {  	v44 =	vperm.xlane v44, v4;
	v46 =	vld [tilespmem:s16+$0x80];
	v19 =	vperm.xlane v21, v4  }
0x81: {  	vm1 =	vge.f32 v39, v43;
	(xrf1) =	vsort.dscd.msk.f32 $0xffff, v20, v0;
	v21 =	vpop (erf)  }
0x82: {  	vm2 =	vge.f32 v24, v25;
	v47, v48, _ =	vpop (xrf1);
	v18 =	vmul.f32 v18, v21  }
0x83: {  	v21 =	vadd.f32 v27, v29;
	v49 =	vld [tilespmem:s16+$0xFFFFFF40];
	vm3 =	vge.f32 v35, v19;
	v27, v29, _ =	vpop (xrf1);
	(xrf1) =	vsort.dscd.msk.f32 $0xffff, v28, v1  }
0x84: {  	v35 =	vsel vm3, v35, v19;
	v36 =	vsel vm3, v36, v38;
	v19, v38, _ =	vpop (xrf1)  }
0x85: {  	(xrf1) =	vsort.dscd.msk.f32 $0xffff, v23, v1;
	[tilespmem:s11+$0x10] =	vst v18;
	s11 =	smov.u32 s14  }
0x86: {  	vm3 =	vge.f32 v31, v45;
	v50 =	vperm.xlane v19, v4;
	v18, v19, _ =	vpop (xrf1);
	(xrf1) =	vsort.dscd.msk.f32 $0xffff, v46, v0  }
0x87: {  	v38 =	vperm.xlane v38, v4;
	v51 =	vperm.xlane v19, v4;
	(xrf1) =	vsort.dscd.msk.f32 $0xffff, v10, v1;
	v52, v53, _ =	vpop (xrf1)  }
0x88: {  	v24 =	vsel vm2, v24, v25;
	v54 =	vperm.xlane v18, v4;
	vm4 =	vge.f32 v33, v50;
	v55 =	vld [tilespmem:s16+$0xFFFFFFC0];
	v19, v18, _ =	vpop (xrf1);
	[tilespmem:s12+$0x10] =	vst v16;
	s12 =	smov.u32 s13  }
0x89: {  	v25 =	vsel vm3, v32, v44;
	v16 =	vsel vm3, v31, v45;
	v31, v32, _ =	vpop (xrf1);
	(xrf1) =	vsort.dscd.msk.f32 $0xffff, v49, v0  }
0x8a: {  	v26 =	vsel vm2, v26, v37;
	v44 =	vperm.xlane v47, v4;
	v45 =	vperm.xlane v52, v4;
	v37, v47, _ =	vpop (xrf1)  }
0x8b: {  	v33 =	vsel vm4, v33, v50;
	v47 =	vperm.xlane v47, v4;
	(xrf1) =	vsort.dscd.msk.f32 $0xffff, v35, v36  }
0x8c: {  	v27 =	vperm.xlane v27, v4;
	v34 =	vsel vm4, v34, v38;
	v35 =	vperm.xlane v48, v4;
	v36, v38, _ =	vpop (xrf1);
	(xrf2) =	vadd.scan.msk.f32 $0xffff, v30  }
0x8d: {  	v29 =	vperm.xlane v29, v4;
	v30 =	vperm.xlane v37, v4;
	v37, v48, _ =	vpop (xrf1);
	(xrf1) =	vsort.dscd.msk.f32 $0xffff, v16, v25  }
0x8e: {  	v16 =	vsel vm1, v39, v43;
	v25 =	vsel vm1, v40, v42;
	(xrf1) =	vsort.dscd.msk.f32 $0xffff, v55, v0;
	v39, v40, _ =	vpop (xrf1)  }
0x8f: {  	vm1 =	vge.f32 v31, v54;
	vm3 =	vge.f32 v37, v27;
	vm4 =	vge.f32 v39, v45;
	v42, v43, _ =	vpop (xrf1)  }
0x90: {  	v28 =	vadd.f32 v28, v46;
	v50 =	vperm.xlane v53, v4;
	v46, v52, _ =	vpop (xrf1);
	(xrf1) =	vsort.dscd.msk.f32 $0xffff, v33, v34  }
0x91: {  	v29 =	vsel vm3, v48, v29;
	v33 =	vsel vm4, v39, v45;
	vm2 =	vge.f32 v46, v30  }
0x92: {  	v48 =	vsel vm1, v31, v54;
	v27 =	vsel vm3, v37, v27;
	v30 =	vsel vm2, v46, v30;
	v34, v37, _ =	vpop (xrf1)  }
0x93: {  	v45 =	vsel vm1, v32, v51;
	v39 =	vsel vm4, v40, v50;
	v46 =	vperm.xlane v34, v4;
	(xrf2) =	vadd.scan.msk.f32 $0xffff, v41;
	v40, v41, _ =	vpop (xrf1)  }
0x94: {  	vm1 =	vge.f32 v36, v44;
	v41 =	vperm.xlane v41, v4;
	(xrf1) =	vsort.dscd.msk.f32 $0xffff, v48, v45;
	v31, v32, _ =	vpop (xrf1)  }
0x95: {  	v45 =	vperm.xlane v37, v4;
	vm3 =	vge.f32 v31, v46;
	(xrf1) =	vsort.dscd.msk.f32 $0xffff, v27, v29;
	v27, v29, _ =	vpop (xrf1)  }
0x96: {  	v40 =	vperm.xlane v40, v4;
	v29 =	vperm.xlane v29, v4;
	v31 =	vsel vm3, v31, v46;
	v34, _, _ =	vpop (xrf2);
	(xrf2) =	vadd.scan.msk.f32 $0xffff, v11  }
0x97: {  	v11 =	vperm.xlane v27, v4;
	v32 =	vsel vm3, v32, v45;
	v27 =	vbroadcast v34, $0xF;
	v34, v37, _ =	vpop (xrf1);
	(xrf1) =	vsort.dscd.msk.f32 $0xffff, v16, v25  }
0x98: {  	v17 =	vsel vm0, v17, v22;
	v16 =	vadd.f32 v23, v49;
	vm3 =	vge.f32 v34, v40  }
0x99: {  	v12 =	vadd.f32 v12, v20;
	v7 =	vadd.f32 v7, v28;
	v20, v22, _ =	vpop (xrf1);
	(xrf1) =	vsort.dscd.msk.f32 $0xffff, v33, v39  }
0x9a: {  	v6 =	vadd.f32 v6, v15;
	v33 =	vperm.xlane v20, v4;
	(xrf1) =	vsort.dscd.msk.f32 $0xffff, v31, v32  }
0x9b: {  	v9 =	vadd.f32 v9, v12;
	v12 =	vperm.xlane v22, v4;
	(erf) = vrcp.f32 v27;
	v20, v22, _ =	vpop (xrf1)  }
0x9c: {  	v16 =	vadd.f32 v6, v16;
	v6 =	vsel vm2, v52, v47;
	vm2 =	vge.f32 v42, v33;
	v23, v25, _ =	vpop (xrf1);
	(xrf2) =	vadd.scan.msk.f32 $0xffff, v7  }
0x9d: {  	v7 =	vsel vm2, v42, v33;
	v12 =	vsel vm2, v43, v12;
	v15, _, _ =	vpop (xrf2);
	(xrf1) =	vsort.dscd.msk.f32 $0xffff, v30, v6  }
0x9e: {  	vm2 =	vge.f32 v23, v11;
	v6 =	vbroadcast v15, $0xF;
	v15 =	vsel vm1, v38, v35;
	v27, v28, _ =	vpop (xrf1);
	(xrf1) =	vsort.dscd.msk.f32 $0xffff, v24, v26  }
0x9f: {  	v10 =	vadd.f32 v10, v55;
	v24 =	vsel vm3, v34, v40;
	v26 =	vsel vm3, v37, v41  }
0xa0: {  	v8 =	vsel vm0, v8, v14;
	v30 =	vsel vm1, v36, v44;
	v28 =	vperm.xlane v28, v4;
	(xrf2) =	vadd.scan.msk.f32 $0xffff, v9;
	v9, _, _ =	vpop (xrf2)  }
0xa1: {  	v14 =	vperm.xlane v20, v4;
	v20 =	vadd.f32 v5, v21;
	v21 =	vbroadcast v9, $0xF;
	(xrf1) =	vsort.dscd.msk.f32 $0xffff, v7, v12  }
0xa2: {  	v9 =	vsel vm2, v23, v11;
	v11 =	vadd.f32 v13, v10;
	v5, v7, _ =	vpop (xrf1);
	(xrf1) =	vsort.dscd.msk.f32 $0xffff, v8, v17  }
0xa3: {  	v10 =	vperm.xlane v22, v4;
	v8 =	vsel vm2, v25, v29;
	(xrf1) =	vsort.dscd.msk.f32 $0xffff, v24, v26;
	v12, v13, _ =	vpop (xrf1)  }
0xa4: {  	v17 =	vperm.xlane v5, v4;
	(erf) = vrcp.f32 v6;
	v5 =	vpop (erf);
	(xrf2) =	vadd.scan.msk.f32 $0xffff, v20  }
0xa5: {  	v6 =	vperm.xlane v12, v4;
	(xrf1) =	vsort.dscd.msk.f32 $0xffff, v30, v15;
	v12, v15, _ =	vpop (xrf1)  }
0xa6: {  	v20 =	vperm.xlane v7, v4;
	v7 =	vperm.xlane v13, v4;
	vm0 =	vge.f32 v19, v17;
	v22, _, _ =	vpop (xrf2)  }
0xa7: {  	v13 =	vsel vm0, v19, v17;
	v12 =	vperm.xlane v12, v4;
	(xrf1) =	vsort.dscd.msk.f32 $0xffff, v9, v8;
	v8, v9, _ =	vpop (xrf1)  }
0xa8: {  	v17 =	vsel vm0, v18, v20;
	vm0 =	vge.f32 v8, v14;
	(xrf2) =	vadd.scan.msk.f32 $0xffff, v16;
	v16, v18, _ =	vpop (xrf1)  }
0xa9: {  	v19 =	vperm.xlane v27, v4;
	v20 =	vperm.xlane v15, v4;
	v8 =	vsel vm0, v8, v14  }
.Ltmp0:
0xaa: {  	v9 =	vsel vm0, v9, v10;
	vm0 =	vge.f32 v16, v12;
	(xrf1) =	vsort.dscd.msk.f32 $0xffff, v13, v17;
	v10, _, _ =	vpop (xrf2);
	(pc) =	sbr.rel @p0 .LBB2_2-.Ltmp0, $4  }
0xab: {  	v16 =	vsel vm0, v16, v12;
	v17 =	vsel vm0, v18, v20;
	v13, v15, _ =	vpop (xrf1)  }
0xac: {  	vm0 =	vge.f32 v13, v19;
	(xrf1) =	vsort.dscd.msk.f32 $0xffff, v8, v9;
	v14, v12, _ =	vpop (xrf1)  }
0xad: {  	v13 =	vsel vm0, v13, v19;
	v15 =	vsel vm0, v15, v28;
	v9 =	vpop (erf);
	(xrf2) =	vadd.scan.msk.f32 $0xffff, v11;
	(erf) = vrcp.f32 v21  }
0xae: {  	s16 =	sadd.s32 $0x200, s16;
	v11 =	vbroadcast v22, $0xF;
	v8, _, _ =	vpop (xrf2);
	(xrf1) =	vsort.dscd.msk.f32 $0xffff, v16, v17  }
0xaf: {  	_ = 	snop  }
0xb0: {  	v14 =	vperm.xlane v14, v4;
	v16, v17, _ =	vpop (xrf1)  }
0xb1: {  	v12 =	vperm.xlane v12, v4;
	v18, v19, _ =	vpop (xrf1)  }
0xb2: {  	(xrf1) =	vsort.dscd.msk.f32 $0xffff, v13, v15;
	(erf) = vrcp.f32 v11;
	vm0 =	vge.f32 v18, v14;
	v13, v15, _ =	vpop (xrf1)  }
0xb3: {  	v14 =	vsel vm0, v18, v14;
	v12 =	vsel vm0, v19, v12;
	v48, v20, _ =	vpop (xrf1)  }
0xb4: {  	v10 =	vbroadcast v10, $0xF;
	vm14 =	vge.f32 v13, v6;
	(xrf1) =	vsort.dscd.msk.f32 $0xffff, v14, v12;
	v18 =	vperm.xlane v48, v4  }
0xb5: {  	v6 =	vsel vm14, v13, v6;
	v7 =	vsel vm14, v15, v7;
	v49 =	vperm.xlane v20, v4;
	v50, v51, _ =	vpop (xrf1)  }
0xb6: {  	(erf) = vrcp.f32 v10;
	v52, _, _ =	vpop (xrf2);
	(xrf1) =	vsort.dscd.msk.f32 $0xffff, v6, v7;
	vm15 =	vge.f32 v50, v18  }
0xb7: {  	v6 =	vsel vm15, v50, v18;
	v7 =	vsel vm15, v51, v49;
	v54, _, _ =	vpop (xrf2)  }
0xb8: {  	v53 =	vbroadcast v52, $0xF;
	(xrf1) =	vsort.dscd.msk.f32 $0xffff, v6, v7;
	v6 =	vbroadcast v54, $0xF;
	_ =	sdelay $0x1  }
0xb9: {  	(erf) = vrcp.f32 v53;
	v7 =	vpop (erf)  }
0xba: {  	v5 =	vmul.f32 v16, v5;
	v57 =	vpop (erf)  }
0xbb: {  	(erf) = vrcp.f32 v6;
	v6, v10, _ =	vpop (xrf1)  }
0xbc: {  	[tilespmem:s11+$0x0] =	vst v5;
	v56, v55, _ =	vpop (xrf1);
	v5 =	vmul.f32 v6, v9  }
0xbd: {  	v8 =	vbroadcast v8, $0xF;
	v6, v9, _ =	vpop (xrf1)  }
0xbe: {  	v58 =	vpop (erf);
	[tilespmem:s11+$0xFFFFFFC0] =	vst v5;
	v5 =	vmul.f32 v6, v57  }
0xbf: {  	[tilespmem:s12+$0x0] =	vst v17;
	(erf) = vrcp.f32 v8;
	v6, v13, _ =	vpop (xrf1)  }
0xc0: {  	[tilespmem:s12+$0xFFFFFFC0] =	vst v10;
	v6 =	vmul.f32 v6, v58  }
0xc1: {  	[tilespmem:s11+$0x20] =	vst v5;
	v59, v60, _ =	vpop (xrf1)  }
0xc2: {  	[tilespmem:s11+$0xFFFFFFE0] =	vst v6;
	v6 =	vmul.f32 v59, v7;
	v5 =	vpop (erf)  }
0xc3: {  	[tilespmem:s12+$0x20] =	vst v9;
	v62, v61, _ =	vpop (xrf1)  }
0xc4: {  	[tilespmem:s12+$0xFFFFFFE0] =	vst v13;
	v5 =	vmul.f32 v62, v5  }
0xc5: {  	v7 =	vpop (erf);
	[tilespmem:s11+$0x30] =	vst v6  }
0xc6: {  	[tilespmem:s12+$0x30] =	vst v60;
	v6, v63, _ =	vpop (xrf1)  }
0xc7: {  	[tilespmem:s11+$0xFFFFFFD0] =	vst v5;
	v6 =	vmul.f32 v6, v7  }
0xc8: {  	[tilespmem:s12+$0xFFFFFFD0] =	vst v61;
	v5 =	vpop (erf)  }
0xc9: {  	[tilespmem:s11+$0xFFFFFFF0] =	vst v6;
	v5 =	vmul.f32 v56, v5  }
0xca: {  	[tilespmem:s12+$0xFFFFFFF0] =	vst v63  }
0xcb: {  	[tilespmem:s11+$0x10] =	vst v5  }
0xcc: {  	[tilespmem:s12+$0x10] =	vst v55  }
0xcd: {  	[hbm4b:s4+s2] =	stream.linear.scatter [tilespmem:s8], [sflag:$0x1], $0x4000, $0x38;
	[tilespmem:$0x18000] =	vst v63  }
0xce: {  	s10 =	sadd.s32 $0x1, s10;
	_ =	swait.ge [sflag:s7], $0x4000  }
0xcf: {  	p0 =	sne.s32 s10, s6;
	[sflag:s7] =	ssyncset.done $0x0  }
.Ltmp1:
0xd0: {  	[sflag:s7] =	ssyncadd.s32 $0xFFFFC000;
	(pc) =	sbr.rel @p0 .LBB2_1-.Ltmp1, $4  }
0xd1: {  	[hbm4b:s5+s2] =	stream.linear.scatter [tilespmem:s9], [sflag:$0x1], $0x4000, $0x38;
	[tilespmem:$0x18000] =	vst v63  }
0xd2: {  	_ =	swait.ge [sflag:s7], $0x4000  }
0xd3: {  	[sflag:s7] =	ssyncset.done $0x0  }
0xd4: {  	[sflag:s7] =	ssyncadd.s32 $0xFFFFC000  }
0xd5: {  	_ =	sfence.sel $0x180000  }
0xd6: {  	[bflag:$0x0] =	sbarrier.arrive $0xFFFF  }
0xd7: {  	p0 =	sne.s32 s1, $0x0;
	_ =	strace $0x90000047  }
0xd8: {  	s0 =	sadd.s32 @!p0 $0x100000, s0;
	[bflag:$0x2] =	sbarrier.arrive $0xFFFF  }
0xd9: {  	[sflag:s0] =	ssyncadd.tile.s32 @!p0 $0x1;
	_ =	shalt  }
.Lfunc_end2:
_tile_overlayer_lowered:
.L_overlay_start_2:
0xda: {  	(tag) =	ssettag $0x2  }
0xdb: {  	s0 =	rddreg [dreg:$0x0];
	s2 =	stileid.u32  }
0xdc: {  	s1 =	rddreg [dreg:$0x1];
	p0 =	sne.s32 s2, $0x0  }
0xdd: {  	s3 =	rddreg [dreg:$0x2];
	[bflag:$0x3] =	sbarrier.arrive $0xFFFF;
	s2 =	simm.s32 @!p0 $0x1C01  }
0xde: {  	[timem:s3], [sflag:s2] =	dma.local @!p0 [hbm:s0], s1  }
0xdf: {  	s0 =	simm.s32 @!p0 $0x1  }
0xe0: {  	_ =	swait.ge @!p0 [sflag:s0], s1  }
0xe1: {  	s1 =	ssub.s32 @!p0 $0x0, s1;
	[sflag:s0] =	ssyncset.done @!p0 $0x0  }
0xe2: {  	[sflag:s0] =	ssyncadd.s32 @!p0 s1  }
0xe3: {  	[bflag:$0x3] =	sbarrier.arrive $0xFFFF  }
0xe4: {  	_ =	shalt  }

</sc_bundles>
